<compile_context>
chip_gen: v7x
topology: tpu7x:2x2x1
jax: 0.10.2.dev20260603
libtpu: 0.0.44.dev20260713+nightly
codegen_flags: <defaults>
</compile_context>

<pallas_src>
import jax
import jax.numpy as jnp
from jax import lax
from jax.experimental import pallas as pl
from jax.experimental.pallas import tpu as pltpu
from jax.experimental.pallas import tpu_sc as plsc

_SEQ = 4096
_START = 1
_END = 2
_LANES = 16
_ROWS = 16


def _packer_body(in_hbm, out_hbm, vin, vout):
    row = lax.axis_index("s")

    pltpu.sync_copy(in_hbm.at[row], vin)

    lanes = lax.iota(jnp.int32, _LANES)
    vout[pl.ds(0, _LANES)] = jnp.full((_LANES,), _START, jnp.int32)

    @plsc.parallel_loop(0, _SEQ, step=_LANES, unroll=8)
    def _shift(j):
        vout[pl.ds(j + 1, _LANES)] = vin[pl.ds(j, _LANES)]

    tail = vin[pl.ds(_SEQ - _LANES - 1, _LANES)]
    vout[pl.ds(_SEQ - _LANES, _LANES)] = jnp.where(lanes == _LANES - 1, _END, tail)

    pltpu.sync_copy(vout.at[pl.ds(0, _SEQ)], out_hbm.at[row])


def kernel(inputs):
    mesh = plsc.VectorSubcoreMesh(
        core_axis_name="c", subcore_axis_name="s", num_cores=1
    )
    packed = pl.kernel(
        _packer_body,
        out_type=jax.ShapeDtypeStruct((_ROWS, _SEQ), jnp.int32),
        mesh=mesh,
        scratch_types=[
            pltpu.VMEM((_SEQ,), jnp.int32),
            pltpu.VMEM((_SEQ + _LANES,), jnp.int32),
        ],
    )(inputs)
    return packed

# --- scband reference (transcript-rebuilt; emitter-appended) ---
"""Pipeline reference for scband-start-end-packer-14104672600579 (READ-ONLY COPY).

The authoritative reference and input builder live on the scoring server;
editing this copy changes nothing except your own understanding.
"""

import jax, jax.numpy as jnp
import numpy as np

SEQUENCE_LENGTH = 4096
START_VALUE = 1
END_VALUE = 2
PAD_VALUE = 0


def setup_inputs(seed: int = 0) -> dict:
    key = jax.random.key(seed)
    inputs = jax.random.randint(key, (16, 4096), 0, 32000, dtype=jnp.int32)
    return {"inputs": inputs}


def reference(inputs):
    # Faithful translation of StartEndPacker.call for a dense rank-2 input.
    # Dense -> ragged conversion makes every row full-length, so the ragged
    # ops reduce to dense concat / slice / pad.
    x = inputs
    batch_size = x.shape[0]
    seq_len = SEQUENCE_LENGTH
    # add start value
    start_col = jnp.full((batch_size, 1), START_VALUE, dtype=x.dtype)
    x = jnp.concatenate([start_col, x], axis=-1)
    # trim to sequence_length - 1, then add end value
    x = x[..., : seq_len - 1]
    end_col = jnp.full((batch_size, 1), END_VALUE, dtype=x.dtype)
    x = jnp.concatenate([x, end_col], axis=-1)
    # pad to fixed sequence_length with pad_value (no-op here since rows are full)
    pad_width = seq_len - x.shape[-1]
    if pad_width > 0:
        x = jnp.pad(x, ((0, 0), (0, pad_width)), constant_values=PAD_VALUE)
    return x

if __name__ == "__main__":
    import jax
    _d = setup_inputs()
    print(jax.jit(kernel)(*tuple(_d.values())))

</pallas_src>

<mosaic_0001>
#map = affine_map<(d0, d1) -> (0, 0)>
module attributes {stable_mosaic.version = 14 : i64} {
  func.func @_packer_body(%arg0: i32, %arg1: i32, %arg2: memref<16x4096xi32, #tpu.memory_space<hbm>>, %arg3: memref<16x4096xi32, #tpu.memory_space<hbm>>, %arg4: memref<4096xi32, #tpu.memory_space<vmem>>, %arg5: memref<4112xi32, #tpu.memory_space<vmem>>) attributes {dimension_semantics = [#tpu.dimension_semantics<core_parallel>, #tpu.dimension_semantics<subcore_parallel>], iteration_bounds = array<i64: 1, 16>, scalar_prefetch = 0 : i64, scratch_operands = 2 : i64, tpu.core_type = #tpu.core_type<sc_vector_subcore>, window_params = [{transform_indices = #map}, {transform_indices = #map}]} {
    "tpu.region"() ({
      %run_scoped3A = tpu.sem_alloc : memref<!tpu.dma_semaphore, #tpu.memory_space<semaphore_mem>>
      %dma_start3A = arith.constant 0 : i32
      %dma_start3A_15 = tpu.memref_slice %arg2[%arg1, %dma_start3A] : memref<16x4096xi32, #tpu.memory_space<hbm>> -> memref<1x4096xi32, #tpu.memory_space<hbm>>
      %dma_start3A_16 = tpu.memref_squeeze %dma_start3A_15 : memref<1x4096xi32, #tpu.memory_space<hbm>> -> memref<4096xi32, #tpu.memory_space<hbm>>
      %dma_start3A_17 = arith.constant 0 : i32
      %dma_start3A_18 = tpu.memref_slice %arg2[%arg1, %dma_start3A_17] : memref<16x4096xi32, #tpu.memory_space<hbm>> -> memref<1x4096xi32, #tpu.memory_space<hbm>>
      %dma_start3A_19 = tpu.memref_squeeze %dma_start3A_18 : memref<1x4096xi32, #tpu.memory_space<hbm>> -> memref<4096xi32, #tpu.memory_space<hbm>>
      tpu.enqueue_dma source(%dma_start3A_19 : memref<4096xi32, #tpu.memory_space<hbm>>) target(%arg4 : memref<4096xi32, #tpu.memory_space<vmem>>) target_semaphore(%run_scoped3A : memref<!tpu.dma_semaphore, #tpu.memory_space<semaphore_mem>>)
      %dma_wait3A = arith.constant 0 : i32
      %dma_wait3A_20 = tpu.memref_slice %arg2[%arg1, %dma_wait3A] : memref<16x4096xi32, #tpu.memory_space<hbm>> -> memref<1x4096xi32, #tpu.memory_space<hbm>>
      %dma_wait3A_21 = tpu.memref_squeeze %dma_wait3A_20 : memref<1x4096xi32, #tpu.memory_space<hbm>> -> memref<4096xi32, #tpu.memory_space<hbm>>
      %dma_wait3A_22 = arith.constant 0 : i32
      %dma_wait3A_23 = tpu.memref_slice %arg2[%arg1, %dma_wait3A_22] : memref<16x4096xi32, #tpu.memory_space<hbm>> -> memref<1x4096xi32, #tpu.memory_space<hbm>>
      %dma_wait3A_24 = tpu.memref_squeeze %dma_wait3A_23 : memref<1x4096xi32, #tpu.memory_space<hbm>> -> memref<4096xi32, #tpu.memory_space<hbm>>
      tpu.wait_dma2 semaphore(%run_scoped3A : memref<!tpu.dma_semaphore, #tpu.memory_space<semaphore_mem>>) src(%dma_wait3A_24 : memref<4096xi32, #tpu.memory_space<hbm>>) dst(%arg4 : memref<4096xi32, #tpu.memory_space<vmem>>)
      tpu.yield
    }) : () -> ()
    %iota3A = tpu.iota {dimensions = array<i32: 0>} : vector<16xi32>
    %broadcast_in_dim3A = arith.constant 1 : i32
    %broadcast_in_dim3A_0 = vector.broadcast %broadcast_in_dim3A : i32 to vector<16xi32>
    %swap3A = arith.constant 0 : index
    %swap3A_1 = tpu.vector_load %arg5[%swap3A] {strides = array<i32>} : memref<4112xi32, #tpu.memory_space<vmem>>, vector<16xi32>,
    %swap3A_2 = vector.shape_cast %swap3A_1 : vector<16xi32> to vector<16xi32>
    %swap3A_3 = vector.shape_cast %broadcast_in_dim3A_0 : vector<16xi32> to vector<16xi32>
    tpu.vector_store %arg5[%swap3A], %swap3A_3 {strides = array<i32>} : memref<4112xi32, #tpu.memory_space<vmem>>, vector<16xi32>,
    %parallel_loop3A = arith.constant 0 : i32
    %parallel_loop3A_4 = arith.constant 4096 : i32
    %parallel_loop3A_5 = arith.constant 16 : i32
    scf.for %parallel_loop3A_15 = %parallel_loop3A to %parallel_loop3A_4 step %parallel_loop3A_5  : i32 {
      %parallel_loop3A_16 = arith.index_cast %parallel_loop3A_15 : i32 to index
      %parallel_loop3A_17 = tpu.vector_load %arg4[%parallel_loop3A_16] {strides = array<i32>} : memref<4096xi32, #tpu.memory_space<vmem>>, vector<16xi32>,
      %parallel_loop3A_18 = vector.shape_cast %parallel_loop3A_17 : vector<16xi32> to vector<16xi32>
      %parallel_loop3A_19 = arith.constant 1 : i32
      %parallel_loop3A_20 = arith.addi %parallel_loop3A_15, %parallel_loop3A_19 : i32
      %parallel_loop3A_21 = arith.index_cast %parallel_loop3A_20 : i32 to index
      %parallel_loop3A_22 = tpu.vector_load %arg5[%parallel_loop3A_21] {strides = array<i32>} : memref<4112xi32, #tpu.memory_space<vmem>>, vector<16xi32>,
      %parallel_loop3A_23 = vector.shape_cast %parallel_loop3A_22 : vector<16xi32> to vector<16xi32>
      %parallel_loop3A_24 = vector.shape_cast %parallel_loop3A_18 : vector<16xi32> to vector<16xi32>
      tpu.vector_store %arg5[%parallel_loop3A_21], %parallel_loop3A_24 {strides = array<i32>} : memref<4112xi32, #tpu.memory_space<vmem>>, vector<16xi32>,
    } {sc.loop_unroll_factor = 8 : i64, sc.parallel_access}
    %get3A = arith.constant 4079 : index
    %get3A_6 = tpu.vector_load %arg4[%get3A] {strides = array<i32>} : memref<4096xi32, #tpu.memory_space<vmem>>, vector<16xi32>,
    %get3A_7 = vector.shape_cast %get3A_6 : vector<16xi32> to vector<16xi32>
    %eq3A = arith.constant 15 : i32
    %eq3A_8 = vector.broadcast %eq3A : i32 to vector<16xi32>
    %eq3A_9 = arith.cmpi eq, %iota3A, %eq3A_8 : vector<16xi32>
    %jit3A = arith.constant 2 : i32
    %broadcast_in_dim3A_10 = vector.broadcast %jit3A : i32 to vector<16xi32>
    %select_n3A = arith.select %eq3A_9, %broadcast_in_dim3A_10, %get3A_7 : vector<16xi1>, vector<16xi32>
    %swap3A_11 = arith.constant 4080 : index
    %swap3A_12 = tpu.vector_load %arg5[%swap3A_11] {strides = array<i32>} : memref<4112xi32, #tpu.memory_space<vmem>>, vector<16xi32>,
    %swap3A_13 = vector.shape_cast %swap3A_12 : vector<16xi32> to vector<16xi32>
    %swap3A_14 = vector.shape_cast %select_n3A : vector<16xi32> to vector<16xi32>
    tpu.vector_store %arg5[%swap3A_11], %swap3A_14 {strides = array<i32>} : memref<4112xi32, #tpu.memory_space<vmem>>, vector<16xi32>,
    "tpu.region"() ({
      %run_scoped3A = tpu.sem_alloc : memref<!tpu.dma_semaphore, #tpu.memory_space<semaphore_mem>>
      %dma_start3A = arith.constant 0 : i32
      %dma_start3A_15 = tpu.memref_slice %arg5[%dma_start3A] : memref<4112xi32, #tpu.memory_space<vmem>> -> memref<4096xi32, #tpu.memory_space<vmem>>
      %dma_start3A_16 = arith.constant 0 : i32
      %dma_start3A_17 = tpu.memref_slice %arg3[%arg1, %dma_start3A_16] : memref<16x4096xi32, #tpu.memory_space<hbm>> -> memref<1x4096xi32, #tpu.memory_space<hbm>>
      %dma_start3A_18 = tpu.memref_squeeze %dma_start3A_17 : memref<1x4096xi32, #tpu.memory_space<hbm>> -> memref<4096xi32, #tpu.memory_space<hbm>>
      %dma_start3A_19 = arith.constant 0 : i32
      %dma_start3A_20 = tpu.memref_slice %arg3[%arg1, %dma_start3A_19] : memref<16x4096xi32, #tpu.memory_space<hbm>> -> memref<1x4096xi32, #tpu.memory_space<hbm>>
      %dma_start3A_21 = tpu.memref_squeeze %dma_start3A_20 : memref<1x4096xi32, #tpu.memory_space<hbm>> -> memref<4096xi32, #tpu.memory_space<hbm>>
      %dma_start3A_22 = arith.constant 0 : i32
      %dma_start3A_23 = tpu.memref_slice %arg5[%dma_start3A_22] : memref<4112xi32, #tpu.memory_space<vmem>> -> memref<4096xi32, #tpu.memory_space<vmem>>
      tpu.enqueue_dma source(%dma_start3A_23 : memref<4096xi32, #tpu.memory_space<vmem>>) target(%dma_start3A_21 : memref<4096xi32, #tpu.memory_space<hbm>>) target_semaphore(%run_scoped3A : memref<!tpu.dma_semaphore, #tpu.memory_space<semaphore_mem>>)
      %dma_wait3A = arith.constant 0 : i32
      %dma_wait3A_24 = tpu.memref_slice %arg5[%dma_wait3A] : memref<4112xi32, #tpu.memory_space<vmem>> -> memref<4096xi32, #tpu.memory_space<vmem>>
      %dma_wait3A_25 = arith.constant 0 : i32
      %dma_wait3A_26 = tpu.memref_slice %arg3[%arg1, %dma_wait3A_25] : memref<16x4096xi32, #tpu.memory_space<hbm>> -> memref<1x4096xi32, #tpu.memory_space<hbm>>
      %dma_wait3A_27 = tpu.memref_squeeze %dma_wait3A_26 : memref<1x4096xi32, #tpu.memory_space<hbm>> -> memref<4096xi32, #tpu.memory_space<hbm>>
      %dma_wait3A_28 = arith.constant 0 : i32
      %dma_wait3A_29 = tpu.memref_slice %arg3[%arg1, %dma_wait3A_28] : memref<16x4096xi32, #tpu.memory_space<hbm>> -> memref<1x4096xi32, #tpu.memory_space<hbm>>
      %dma_wait3A_30 = tpu.memref_squeeze %dma_wait3A_29 : memref<1x4096xi32, #tpu.memory_space<hbm>> -> memref<4096xi32, #tpu.memory_space<hbm>>
      %dma_wait3A_31 = arith.constant 0 : i32
      %dma_wait3A_32 = tpu.memref_slice %arg5[%dma_wait3A_31] : memref<4112xi32, #tpu.memory_space<vmem>> -> memref<4096xi32, #tpu.memory_space<vmem>>
      tpu.wait_dma2 semaphore(%run_scoped3A : memref<!tpu.dma_semaphore, #tpu.memory_space<semaphore_mem>>) src(%dma_wait3A_32 : memref<4096xi32, #tpu.memory_space<vmem>>) dst(%dma_wait3A_30 : memref<4096xi32, #tpu.memory_space<hbm>>)
      tpu.yield
    }) : () -> ()
    return
  }
}

</mosaic_0001>

<sc_bundles>
// kernel: kernel.3.cloned.1.call-start
scs
__scs_entry_jumppad:
0x0: {  	(pc) =	sbr.rel $0x88, $3  }
0x1: {  	(tag) =	ssettag $0x0;
	lr =	simm.s32 $0x1  }
0x2: {  	[smem:$0x3FA0] =	sst lr;
	_ =	strace $0xD0000000  }
0x3: {  	_ = 	snop  }
0x4: {  	_ = 	snop  }
0x5: {  	_ = 	snop  }
0x6: {  	_ = 	snop  }
0x7: {  	_ = 	snop  }
__scs_overlays_trampoline_lowered:
0x8: {  	[smem:$0x3FAF] =	sst s0  }
0x9: {  	[smem:$0x3FB0] =	sst s1  }
0xa: {  	[smem:$0x3FB1] =	sst s2  }
0xb: {  	[smem:$0x3FB2] =	sst s3  }
0xc: {  	[smem:$0x3FB3] =	sst s4  }
0xd: {  	[smem:$0x3FB4] =	sst s5  }
0xe: {  	[smem:$0x3FB5] =	sst s6  }
0xf: {  	[smem:$0x3FB6] =	sst s7  }
0x10: {  	[smem:$0x3FB7] =	sst s8  }
0x11: {  	[smem:$0x3FB8] =	sst s9;
	s0 =	simm.s32 @!p0 $0x0  }
0x12: {  	s1 =	sld [smem:$0x3F9E];
	s0 =	simm.s32 @p0 $0x1  }
0x13: {  	[smem:$0x3FB9] =	sst s0;
	s0 =	simm.s32 @!p1 $0x0  }
0x14: {  	s2 =	sld [smem:$0x3F9D];
	s0 =	simm.s32 @p1 $0x1  }
0x15: {  	[smem:$0x3FBA] =	sst s0;
	s0 =	simm.s32 @!p2 $0x0  }
0x16: {  	s3 =	sld [smem:$0x3FDB];
	s0 =	simm.s32 @p2 $0x1  }
0x17: {  	s4 =	simm.s32 $0x1BF5;
	[smem:$0x3FBC] =	sst s0  }
0x18: {  	s0 =	sld [smem:$0x3F9F];
	_ =	swait.ge [sflag:s4], $0x0  }
0x19: {  	s7 =	sld [smem:$0x3FA0]  }
0x1a: {  	s8 =	sadd.s32 $0xFFFFE003, lr  }
0x1b: {  	s9 =	sadd.s32 $0xFFFFFEF7, lr;
	s5 =	simm.s32 $0xFFFFFFFF;
	p2 =	slt.u32 s8, $0xFFFFF086  }
0x1c: {  	p1 =	slt.u32 s9, $0xF7A;
	s5 =	simm.s32 @!p2 $0x0  }
0x1d: {  	s5 =	simm.s32 @p1 $0x1;
	p0 =	seq.s32 s7, s2  }
0x1e: {  	s7 =	smul.u32 @!p0 $0xF7A, s2;
	p2 =	seq.s32 @!p0 s5, $0x0  }
0x1f: {  	s9 =	smul.u32 $0xF7A, s1;
	s8 =	simm.s32 @!p0 $0x1BF5;
	p2 =	por !p2, p0  }
0x20: {  	[sflag:s8] =	ssyncset.s32 @!p0 $0xFFFFF086;
	s6 =	sadd.s32 @!p0 s3, s7;
	s7 =	simm.s32 @!p0 $0x108  }
0x21: {  	s3 =	sadd.s32 s3, s9;
	s6 =	sadd.s32 @!p0 $0x88, s6;
	s7 =	simm.s32 @p2 $0x1082  }
0x22: {  	[simem:s7], [sflag:s8] =	dma.local @!p0 [hbm:s6], $0xF7A  }
0x23: {  	s9 =	sor.u32 $0xD0000000, s2;
	s6 =	simm.s32 $0x108;
	_ =	swait.ge @!p0 [sflag:s8], $0x0  }
0x24: {  	s3 =	sadd.s32 $0x88, s3;
	s6 =	simm.s32 @!p1 $0x1082;
	[sflag:s4] =	ssyncset.s32 $0xFFFFF086  }
0x25: {  	[simem:s6], [sflag:s4] =	dma.local [hbm:s3], $0xF7A  }
0x26: {  	[smem:$0x3FA0] =	sst s1;
	(tag) =	ssettag s2;
	_ =	strace s9  }
0x27: {  	s1 =	sld [smem:$0x3FB0]  }
0x28: {  	s2 =	sld [smem:$0x3FB1]  }
0x29: {  	s4 =	sld [smem:$0x3FB3]  }
0x2a: {  	p0 =	seq.s32 s5, $0x0;
	s5 =	sld [smem:$0x3FB4]  }
0x2b: {  	s6 =	sld [smem:$0x3FB5]  }
0x2c: {  	s7 =	sld [smem:$0x3FB6]  }
0x2d: {  	s3 =	simm.s32 $0x108;
	s8 =	sld [smem:$0x3FB7]  }
0x2e: {  	s3 =	simm.s32 @!p0 $0x1082;
	s9 =	sld [smem:$0x3FB8]  }
0x2f: {  	lr =	sadd.s32 s0, s3;
	s0 =	sld [smem:$0x3FAF]  }
0x30: {  	s3 =	sld [smem:$0x3FB2]  }
0x31: {  	[smem:$0x3FBB] =	sst s10  }
0x32: {  	s10 =	sld [smem:$0x3FB9];
	_ =	sdelay $0x3  }
0x33: {  	p0 =	seq.s32 s10, $0x1;
	s10 =	sld [smem:$0x3FBB];
	_ =	sdelay $0x3  }
0x34: {  	[smem:$0x3FBB] =	sst s10  }
0x35: {  	s10 =	sld [smem:$0x3FBA];
	_ =	sdelay $0x3  }
0x36: {  	p1 =	seq.s32 s10, $0x1;
	s10 =	sld [smem:$0x3FBB];
	_ =	sdelay $0x3  }
0x37: {  	[smem:$0x3FBB] =	sst s10  }
0x38: {  	s10 =	sld [smem:$0x3FBC]  }
0x39: {  	_ = 	snop;
	(pc) =	sbr.ind lr, $3  }
0x3a: {  	_ = 	snop  }
0x3b: {  	_ = 	snop  }
0x3c: {  	p2 =	seq.s32 s10, $0x1;
	s10 =	sld [smem:$0x3FBB]  }
0x3d: {  	_ =	shalt  }
0x3e: {  	_ =	shalt  }
0x3f: {  	_ =	shalt  }
0x40: {  	_ =	shalt  }
0x41: {  	_ =	shalt  }
0x42: {  	_ =	shalt  }
0x43: {  	_ =	shalt  }
0x44: {  	_ =	shalt  }
0x45: {  	_ =	shalt  }
0x46: {  	_ =	shalt  }
0x47: {  	_ =	shalt  }
0x48: {  	_ =	shalt  }
0x49: {  	_ =	shalt  }
0x4a: {  	_ =	shalt  }
0x4b: {  	_ =	shalt  }
0x4c: {  	_ =	shalt  }
0x4d: {  	_ =	shalt  }
0x4e: {  	_ =	shalt  }
0x4f: {  	_ =	shalt  }
0x50: {  	_ =	shalt  }
0x51: {  	_ =	shalt  }
0x52: {  	_ =	shalt  }
0x53: {  	_ =	shalt  }
0x54: {  	_ =	shalt  }
0x55: {  	_ =	shalt  }
0x56: {  	_ =	shalt  }
0x57: {  	_ =	shalt  }
0x58: {  	_ =	shalt  }
0x59: {  	_ =	shalt  }
0x5a: {  	_ =	shalt  }
0x5b: {  	_ =	shalt  }
0x5c: {  	_ =	shalt  }
0x5d: {  	_ =	shalt  }
0x5e: {  	_ =	shalt  }
0x5f: {  	_ =	shalt  }
0x60: {  	_ =	shalt  }
0x61: {  	_ =	shalt  }
0x62: {  	_ =	shalt  }
0x63: {  	_ =	shalt  }
0x64: {  	_ =	shalt  }
0x65: {  	_ =	shalt  }
0x66: {  	_ =	shalt  }
0x67: {  	_ =	shalt  }
0x68: {  	_ =	shalt  }
0x69: {  	_ =	shalt  }
0x6a: {  	_ =	shalt  }
0x6b: {  	_ =	shalt  }
0x6c: {  	_ =	shalt  }
0x6d: {  	_ =	shalt  }
0x6e: {  	_ =	shalt  }
0x6f: {  	_ =	shalt  }
0x70: {  	_ =	shalt  }
0x71: {  	_ =	shalt  }
0x72: {  	_ =	shalt  }
0x73: {  	_ =	shalt  }
0x74: {  	_ =	shalt  }
0x75: {  	_ =	shalt  }
0x76: {  	_ =	shalt  }
0x77: {  	_ =	shalt  }
0x78: {  	_ =	shalt  }
0x79: {  	_ =	shalt  }
0x7a: {  	_ =	shalt  }
0x7b: {  	_ =	shalt  }
0x7c: {  	_ =	shalt  }
0x7d: {  	_ =	shalt  }
0x7e: {  	_ =	shalt  }
0x7f: {  	_ =	shalt  }
0x80: {  	_ =	shalt  }
0x81: {  	_ =	shalt  }
0x82: {  	_ =	shalt  }
0x83: {  	_ =	shalt  }
0x84: {  	_ =	shalt  }
0x85: {  	_ =	shalt  }
0x86: {  	_ =	shalt  }
0x87: {  	_ =	shalt  }
.Lfunc_end0:
.L_simem_size_0:
called_computation_lowered:
.L_overlay_start_0:
0x88: {  	s0 =	sld [smem:$0x3FD9]  }
0x89: {  	s1 =	sld [smem:$0x3FFE];
	_ =	sdelay $0x3  }
0x8a: {  	s0 =	sadd.s32 s1, s0  }
0x8b: {  	[smem:$0x3FC7] =	sst s0  }
0x8c: {  	_ = 	snop  }
0x8d: {  	s0 =	sld [smem:$0x3FC9]  }
0x8e: {  	s17 =	sld [smem:$0x3FD0];
	(tm) =	ssettm $0x1  }
0x8f: {  	s2 =	sld [smem:$0x3FFB];
	_ =	sdelay $0x3  }
0x90: {  	_ =	strace s2  }
0x91: {  	s2 =	sld [smem:$0x3FFC];
	_ =	sdelay $0x3  }
0x92: {  	_ =	strace s2  }
0x93: {  	s2 =	sld [smem:$0x3FFD];
	_ =	sdelay $0x3  }
0x94: {  	_ =	strace s2  }
0x95: {  	_ =	strace $0x8FFFFFFF  }
0x96: {  	s18 =	sld [smem:$0x3FDB];
	_ =	sdelay $0x1  }
0x97: {  	s3 =	simm.s32 $_scs_section_size  }
0x98: {  	s4 =	simm.s32 $_size__tile_overlayer_lowered;
	s5 =	simm.s32 $_tile_overlayer_lowered  }
0x99: {  	s21 =	simm.s32 $0x1BFF;
	s20 =	sshll.u32 s5, $0x1;
	s2 =	sadd.s32 s3, s18  }
0x9a: {  	s6 =	simm.s32 $0x0;
	s19 =	sshll.u32 s4, $0x1;
	s4 =	sadd.s32 s20, s2  }
0x9b: {  	[timem:s6], [sflag:s21] =	dma.local [hbm:s4], s19  }
0x9c: {  	_ =	swait.ge [sflag:s21], s19  }
0x9d: {  	s3 =	ssub.s32 $0x0, s19;
	[sflag:s21] =	ssyncset.done $0x0  }
0x9e: {  	[sflag:s21] =	ssyncadd.s32 s3;
	_ =	sdelay $0x1  }
0x9f: {  	s22 =	simm.s32 $0x1B8B  }
0xa0: {  	_ =	swait.ge [sflag:s22], $0x1  }
0xa1: {  	[sflag:s22] =	ssyncset.done $0x0  }
0xa2: {  	s23 =	simm.s32 $0x1B8E;
	[sflag:s22] =	ssyncadd.s32 $0xFFFFFFFF  }
0xa3: {  	s24 =	simm.s32 $execute0_lowered;
	[smem:$0x3FD2] =	sst s23  }
0xa4: {  	s3 =	sshll.u32 s24, $0x1;
	_ =	strace $0x80000046;
	[dreg:$0x1] =	wrdreg $0xFFFFFFFF  }
0xa5: {  	s25 =	simm.s32 $_size_execute0_lowered;
	s2 =	sadd.s32 s2, s3;
	[dreg:$0x0] =	wrdreg $0x0  }
0xa6: {  	s3 =	sshll.u32 s25, $0x1;
	[dreg:$0x2] =	wrdreg s2  }
0xa7: {  	[dreg:$0x3] =	wrdreg s3  }
0xa8: {  	[dreg:$0x4] =	wrdreg $0xC0  }
0xa9: {  	_ =	task [dreg:s6], $0x5FFFF  }
0xaa: {  	[dreg:$0x1] =	wrdreg $0xFFFFFFFF  }
0xab: {  	[dreg:$0x0] =	wrdreg $0x60  }
0xac: {  	[dreg:$0x2] =	wrdreg s0  }
0xad: {  	[dreg:$0x3] =	wrdreg s17  }
0xae: {  	[dreg:$0x4] =	wrdreg $0x9  }
0xaf: {  	_ =	task.clear_ibuf [dreg:s6], $0x5FFFF;
	_ =	strace $0x90000046  }
0xb0: {  	s26 =	simm.s32 $0x9;
	_ =	strace $0x80000048  }
0xb1: {  	_ =	swait.ge [sflag:s26], $0x1  }
0xb2: {  	[sflag:s26] =	ssyncadd.s32 $0xFFFFFFFF  }
0xb3: {  	_ =	strace $0x90000048  }
0xb4: {  	_ =	sfence  }
0xb5: {  	s28 =	sld [smem:$0x0];
	_ =	sdelay $0x1  }
0xb6: {  	s29 =	srdreg.scid  }
0xb7: {  	s30 =	sshll.u32 s29, $0xD;
	s31 =	sshrl.u32 s29, $0x2  }
0xb8: {  	s1 =	sand.u32 $0x1, s29;
	s2 =	sand.u32 $0x4000, s30;
	s0 =	sadd.s32 s31, s28  }
0xb9: {  	s1 =	sor.u32 s2, s1;
	s0 =	sshll.u32 s0, $0x11  }
0xba: {  	s0 =	sor.u32 s0, s1  }
0xbb: {  	s0 =	sadd.s32 $0x8F2B, s0  }
0xbc: {  	[sflag:s0] =	ssyncadd.remote.s32 $0x1  }
0xbd: {  	_ =	sfence.sel $0xFFFF  }
0xbe: {  	[dreg:$0x0] =	wrdreg $0xFFFFFFFF;
	(pc) =	sbr.abs _section_cstart, $3  }
0xbf: {  	[dreg:$0x1] =	wrdreg $0xFFFFFFFF  }
0xc0: {  	_ =	task.clear_ibuf [dreg:s6], $0x2FFFF;
	_ =	strace $0x9FFFFFFF  }
0xc1: {  	(tm) =	ssettm $0x7FFFFFFF  }
tec
execute0_lowered:
.L_overlay_start_1:
0x0: {  	(tag) =	ssettag $0x1  }
0x1: {  	s4 =	rddreg [dreg:$0x0]  }
0x2: {  	s2 =	rddreg [dreg:$0x1];
	s1 =	stileid.u32  }
0x3: {  	s0 =	rddreg [dreg:$0x2];
	s3 =	sshll.u32 s1, $0x9;
	s6 =	sshll.u32 s1, $0x4  }
0x4: {  	s5 =	simm.s32 $0x0;
	s29 =	simm.s32 $0x80;
	s3 =	sor.u32 s6, s3  }
0x5: {  	s7 =	simm.s32 $0x400;
	[smem:$0x7FF] =	sst s5;
	s3 =	sand.u32 $0x1070, s3  }
0x6: {  	s30 =	simm.s32 $0x1;
	_ =	strace $0x80000047;
	s4 =	sadd.s32 s4, s3  }
0x7: {  	[tilespmem:s5], [sflag:$0x1] =	stream.strided.gather [hbm4b:s4+s29], $0x1000, s7, s29, $0x38;
	[tilespmem:$0x2080] =	vst v63  }
0x8: {  	_ =	swait.ge [sflag:s30], $0x1000  }
0x9: {  	[sflag:s30] =	ssyncset.done $0x0  }
0xa: {  	v0 =	vimm.s32 $0x1;
	[sflag:s30] =	ssyncadd.s32 $0xFFFFF000  }
0xb: {  	s31 =	simm.s32 $0x40;
	[tilespmem:$0x1000] =	vst v0  }
0xc: {  	v3 =	vld [tilespmem:s31+$0x30]  }
0xd: {  	v4 =	vld [tilespmem:s31+$0xFFFFFFD0]  }
0xe: {  	v5 =	vld [tilespmem:s31+$0xFFFFFFE0]  }
0xf: {  	v0 =	vld [tilespmem:s31+$0xFFFFFFF0]  }
0x10: {  	s4 =	simm.s32 $0x1041;
	v1 =	vld [tilespmem:s31+$0x0]  }
0x11: {  	v2 =	vld [tilespmem:s31+$0x10];
	[tilespmem:s4+$0x30] =	vst v3  }
0x12: {  	[tilespmem:s4+$0xFFFFFFD0] =	vst v4;
	v3 =	vld [tilespmem:s31+$0x20]  }
0x13: {  	s6 =	simm.s32 $0xC0;
	s5 =	simm.s32 $0x0;
	v4 =	vld [tilespmem:s31+$0xFFFFFFC0];
	[tilespmem:s4+$0xFFFFFFE0] =	vst v5  }
.LBB2_1:
0x14: {  	v5 =	vld [tilespmem:s6+$0x30];
	s5 =	sadd.s32 $0x80, s5;
	[tilespmem:s4+$0xFFFFFFF0] =	vst v0  }
0x15: {  	v6 =	vld [tilespmem:s6+$0xFFFFFFD0];
	p0 =	slt.u32 s5, $0xF80;
	[tilespmem:s4+$0x0] =	vst v1  }
0x16: {  	v7 =	vld [tilespmem:s6+$0xFFFFFFE0];
	[tilespmem:s4+$0x10] =	vst v2  }
.Ltmp0:
0x17: {  	v0 =	vld [tilespmem:s6+$0xFFFFFFF0];
	[tilespmem:s4+$0x20] =	vst v3;
	(pc) =	sbr.rel @p0 .LBB2_1-.Ltmp0, $4  }
0x18: {  	v1 =	vld [tilespmem:s6+$0x0];
	[tilespmem:s4+$0xFFFFFFC0] =	vst v4;
	s4 =	sadd.s32 $0x80, s4  }
0x19: {  	v2 =	vld [tilespmem:s6+$0x10];
	[tilespmem:s4+$0x30] =	vst v5  }
0x1a: {  	[tilespmem:s4+$0xFFFFFFD0] =	vst v6;
	v3 =	vld [tilespmem:s6+$0x20]  }
0x1b: {  	v4 =	vld [tilespmem:s6+$0xFFFFFFC0];
	[tilespmem:s4+$0xFFFFFFE0] =	vst v7;
	s6 =	sadd.s32 $0x80, s6  }
0x1c: {  	[tilespmem:s4+$0xFFFFFFF0] =	vst v0  }
0x1d: {  	[tilespmem:s4+$0x0] =	vst v1  }
0x1e: {  	[tilespmem:s4+$0x10] =	vst v2  }
0x1f: {  	[tilespmem:s4+$0x20] =	vst v3  }
0x20: {  	[tilespmem:s4+$0xFFFFFFC0] =	vst v4  }
0x21: {  	v0 =	vld [tilespmem:$0xFEF];
	_ =	sdelay $0x2  }
0x22: {  	v63 =	vlaneseq.u32  }
0x23: {  	vm0 =	veq.s32 v63, $0xF  }
0x24: {  	s2 =	sadd.s32 s2, s3;
	s29 =	simm.s32 $0x80;
	v0 =	vsel vm0, $0x2, v0  }
0x25: {  	s30 =	simm.s32 $0x400;
	s5 =	simm.s32 $0x1000;
	s31 =	simm.s32 $0x1;
	[tilespmem:$0x1FF0] =	vst v0  }
0x26: {  	[hbm4b:s2+s29] =	stream.strided.scatter [tilespmem:s5], [sflag:$0x1], $0x1000, s30, s29, $0x38;
	[tilespmem:$0x2080] =	vst v63  }
0x27: {  	_ =	swait.ge [sflag:s31], $0x1000  }
0x28: {  	[sflag:s31] =	ssyncset.done $0x0  }
0x29: {  	[sflag:s31] =	ssyncadd.s32 $0xFFFFF000  }
0x2a: {  	_ =	sfence.sel $0x180000  }
0x2b: {  	[bflag:$0x0] =	sbarrier.arrive $0xFFFF  }
0x2c: {  	p0 =	sne.s32 s1, $0x0;
	_ =	strace $0x90000047  }
0x2d: {  	s0 =	sadd.s32 @!p0 $0x100000, s0;
	[bflag:$0x2] =	sbarrier.arrive $0xFFFF  }
0x2e: {  	[sflag:s0] =	ssyncadd.tile.s32 @!p0 $0x1;
	_ =	shalt  }
.Lfunc_end2:
_tile_overlayer_lowered:
.L_overlay_start_2:
0x2f: {  	(tag) =	ssettag $0x2  }
0x30: {  	s0 =	rddreg [dreg:$0x0];
	s2 =	stileid.u32  }
0x31: {  	s1 =	rddreg [dreg:$0x1];
	p0 =	sne.s32 s2, $0x0  }
0x32: {  	s3 =	rddreg [dreg:$0x2];
	[bflag:$0x3] =	sbarrier.arrive $0xFFFF;
	s2 =	simm.s32 @!p0 $0x1C01  }
0x33: {  	[timem:s3], [sflag:s2] =	dma.local @!p0 [hbm:s0], s1  }
0x34: {  	s0 =	simm.s32 @!p0 $0x1  }
0x35: {  	_ =	swait.ge @!p0 [sflag:s0], s1  }
0x36: {  	s1 =	ssub.s32 @!p0 $0x0, s1;
	[sflag:s0] =	ssyncset.done @!p0 $0x0  }
0x37: {  	[sflag:s0] =	ssyncadd.s32 @!p0 s1  }
0x38: {  	[bflag:$0x3] =	sbarrier.arrive $0xFFFF  }
0x39: {  	_ =	shalt  }

</sc_bundles>
